<compile_context>
chip_gen: v7x
topology: tpu7x:2x2x1
jax: 0.10.2.dev20260603
libtpu: 0.0.44.dev20260713+nightly
codegen_flags: <defaults>
</compile_context>

<pallas_src>
import functools

import jax
import jax.numpy as jnp
from jax import lax
from jax.experimental import pallas as pl
from jax.experimental.pallas import tpu as pltpu
from jax.experimental.pallas import tpu_sc as plsc

_B = 16384
_D = 768
_V = 12

_info = plsc.get_sparse_core_info()
_NC = _info.num_cores
_NS = _info.num_subcores
_NW = _NC * _NS
_BPW = _B // _NW
_L = 16
_Q = 8

_mesh = plsc.VectorSubcoreMesh(core_axis_name="c", subcore_axis_name="s")


@functools.partial(
    pl.kernel,
    mesh=_mesh,
    out_type=jax.ShapeDtypeStruct((_B * _D,), jnp.float32),
    scratch_types=[
        pltpu.VMEM((_BPW + _L,), jnp.int32),
        pltpu.VMEM((_V * _D,), jnp.float32),
        pltpu.SemaphoreType.DMA,
    ],
    compiler_params=pltpu.CompilerParams(
        use_tc_tiling_on_sc=False, needs_layout_passes=False
    ),
)
def _emb_lookup(labels_hbm, table_hbm, out_hbm, idx_v, table_v, ssem):
    wid = lax.axis_index("s") * _NC + lax.axis_index("c")
    base = wid * _BPW
    pltpu.sync_copy(table_hbm, table_v)
    pltpu.sync_copy(labels_hbm.at[pl.ds(base, _BPW)], idx_v.at[pl.ds(0, _BPW)])

    def row_copy(r):
        lab = idx_v[pl.ds(r, _L)][0]
        return pltpu.make_async_copy(
            table_v.at[pl.ds(lab * _D, _D)],
            out_hbm.at[pl.ds((base + r) * _D, _D)],
            ssem,
        )

    for r in range(_Q):
        row_copy(r).start()

    def body(r, _):
        row_copy(r + _Q).start()
        row_copy(r).wait()
        return 0

    lax.fori_loop(0, _BPW - _Q, body, 0)
    for r in range(_BPW - _Q, _BPW):
        row_copy(r).wait()


def kernel(labels, table):
    out = _emb_lookup(labels.astype(jnp.int32), table.reshape(-1))
    return out.reshape(_B, _D)

# --- scband reference (transcript-rebuilt; emitter-appended) ---
"""Pipeline reference for scband-emotion-embedding-21174188769803 (READ-ONLY COPY).

The authoritative reference and input builder live on the scoring server;
editing this copy changes nothing except your own understanding.
"""

import jax, jax.numpy as jnp
import numpy as np

NUM_CLASSES = 12
EMBED_DIM = 768
BATCH = 16384

def setup_inputs(seed: int = 0) -> dict:
    key = jax.random.key(seed)
    k1, k2 = jax.random.split(key)
    labels = jax.random.randint(k1, (BATCH,), 0, NUM_CLASSES, dtype=jnp.int64 if jax.config.jax_enable_x64 else jnp.int32)
    table = jax.random.normal(k2, (NUM_CLASSES, EMBED_DIM), dtype=jnp.float32)
    return {"labels": labels, "table": table}

def reference(labels, table):
    # nn.Embedding forward: row gather from the embedding table
    return jnp.take(table, labels, axis=0)

if __name__ == "__main__":
    import jax
    _d = setup_inputs()
    print(jax.jit(kernel)(*tuple(_d.values())))

</pallas_src>

<mosaic_0001>
#map = affine_map<(d0, d1) -> (0)>
module attributes {stable_mosaic.version = 14 : i64} {
  func.func @_emb_lookup(%arg0: i32, %arg1: i32, %arg2: memref<16384xi32, #tpu.memory_space<hbm>>, %arg3: memref<9216xf32, #tpu.memory_space<hbm>>, %arg4: memref<12582912xf32, #tpu.memory_space<hbm>>, %arg5: memref<528xi32, #tpu.memory_space<vmem>>, %arg6: memref<9216xf32, #tpu.memory_space<vmem>>, %arg7: memref<!tpu.dma_semaphore, #tpu.memory_space<semaphore_mem>>) attributes {dimension_semantics = [#tpu.dimension_semantics<core_parallel>, #tpu.dimension_semantics<subcore_parallel>], iteration_bounds = array<i64: 2, 16>, scalar_prefetch = 0 : i64, scratch_operands = 3 : i64, tpu.core_type = #tpu.core_type<sc_vector_subcore>, window_params = [{transform_indices = #map}, {transform_indices = #map}, {transform_indices = #map}]} {
    %mul3A = arith.constant 2 : i32
    %mul3A_0 = arith.muli %arg1, %mul3A : i32
    %add3A = arith.addi %mul3A_0, %arg0 : i32
    %mul3A_1 = arith.constant 512 : i32
    %mul3A_2 = arith.muli %add3A, %mul3A_1 : i32
    "tpu.region"() ({
      %run_scoped3A = tpu.sem_alloc : memref<!tpu.dma_semaphore, #tpu.memory_space<semaphore_mem>>
      tpu.enqueue_dma source(%arg3 : memref<9216xf32, #tpu.memory_space<hbm>>) target(%arg6 : memref<9216xf32, #tpu.memory_space<vmem>>) target_semaphore(%run_scoped3A : memref<!tpu.dma_semaphore, #tpu.memory_space<semaphore_mem>>)
      tpu.wait_dma2 semaphore(%run_scoped3A : memref<!tpu.dma_semaphore, #tpu.memory_space<semaphore_mem>>) src(%arg3 : memref<9216xf32, #tpu.memory_space<hbm>>) dst(%arg6 : memref<9216xf32, #tpu.memory_space<vmem>>)
      tpu.yield
    }) : () -> ()
    "tpu.region"() ({
      %run_scoped3A = tpu.sem_alloc : memref<!tpu.dma_semaphore, #tpu.memory_space<semaphore_mem>>
      %dma_start3A_228 = arith.constant 0 : i32
      %dma_start3A_229 = tpu.memref_slice %arg5[%dma_start3A_228] : memref<528xi32, #tpu.memory_space<vmem>> -> memref<512xi32, #tpu.memory_space<vmem>>
      %dma_start3A_230 = tpu.memref_slice %arg2[%mul3A_2] : memref<16384xi32, #tpu.memory_space<hbm>> -> memref<512xi32, #tpu.memory_space<hbm>>
      %dma_start3A_231 = arith.constant 0 : i32
      %dma_start3A_232 = tpu.memref_slice %arg5[%dma_start3A_231] : memref<528xi32, #tpu.memory_space<vmem>> -> memref<512xi32, #tpu.memory_space<vmem>>
      %dma_start3A_233 = tpu.memref_slice %arg2[%mul3A_2] : memref<16384xi32, #tpu.memory_space<hbm>> -> memref<512xi32, #tpu.memory_space<hbm>>
      tpu.enqueue_dma source(%dma_start3A_233 : memref<512xi32, #tpu.memory_space<hbm>>) target(%dma_start3A_232 : memref<512xi32, #tpu.memory_space<vmem>>) target_semaphore(%run_scoped3A : memref<!tpu.dma_semaphore, #tpu.memory_space<semaphore_mem>>)
      %dma_wait3A_234 = arith.constant 0 : i32
      %dma_wait3A_235 = tpu.memref_slice %arg5[%dma_wait3A_234] : memref<528xi32, #tpu.memory_space<vmem>> -> memref<512xi32, #tpu.memory_space<vmem>>
      %dma_wait3A_236 = tpu.memref_slice %arg2[%mul3A_2] : memref<16384xi32, #tpu.memory_space<hbm>> -> memref<512xi32, #tpu.memory_space<hbm>>
      %dma_wait3A_237 = arith.constant 0 : i32
      %dma_wait3A_238 = tpu.memref_slice %arg5[%dma_wait3A_237] : memref<528xi32, #tpu.memory_space<vmem>> -> memref<512xi32, #tpu.memory_space<vmem>>
      %dma_wait3A_239 = tpu.memref_slice %arg2[%mul3A_2] : memref<16384xi32, #tpu.memory_space<hbm>> -> memref<512xi32, #tpu.memory_space<hbm>>
      tpu.wait_dma2 semaphore(%run_scoped3A : memref<!tpu.dma_semaphore, #tpu.memory_space<semaphore_mem>>) src(%dma_wait3A_239 : memref<512xi32, #tpu.memory_space<hbm>>) dst(%dma_wait3A_238 : memref<512xi32, #tpu.memory_space<vmem>>)
      tpu.yield
    }) : () -> ()
    %get3A = arith.constant 0 : index
    %get3A_3 = tpu.vector_load %arg5[%get3A] {strides = array<i32>} : memref<528xi32, #tpu.memory_space<vmem>>, vector<16xi32>,
    %slice3A = vector.extract_strided_slice %get3A_3 {offsets = [0], sizes = [1], strides = [1]} : vector<16xi32> to vector<1xi32>
    %squeeze3A = vector.extract %slice3A[0] : i32 from vector<1xi32>
    %mul3A_4 = arith.constant 768 : i32
    %mul3A_5 = arith.muli %squeeze3A, %mul3A_4 : i32
    %add3A_6 = arith.constant 0 : i32
    %add3A_7 = arith.addi %mul3A_2, %add3A_6 : i32
    %mul3A_8 = arith.constant 768 : i32
    %mul3A_9 = arith.muli %add3A_7, %mul3A_8 : i32
    %dma_start3A = tpu.memref_slice %arg6[%mul3A_5] : memref<9216xf32, #tpu.memory_space<vmem>> -> memref<768xf32, #tpu.memory_space<vmem>>
    %dma_start3A_10 = tpu.memref_slice %arg4[%mul3A_9] : memref<12582912xf32, #tpu.memory_space<hbm>> -> memref<768xf32, #tpu.memory_space<hbm>>
    %dma_start3A_11 = tpu.memref_slice %arg4[%mul3A_9] : memref<12582912xf32, #tpu.memory_space<hbm>> -> memref<768xf32, #tpu.memory_space<hbm>>
    %dma_start3A_12 = tpu.memref_slice %arg6[%mul3A_5] : memref<9216xf32, #tpu.memory_space<vmem>> -> memref<768xf32, #tpu.memory_space<vmem>>
    tpu.enqueue_dma source(%dma_start3A_12 : memref<768xf32, #tpu.memory_space<vmem>>) target(%dma_start3A_11 : memref<768xf32, #tpu.memory_space<hbm>>) target_semaphore(%arg7 : memref<!tpu.dma_semaphore, #tpu.memory_space<semaphore_mem>>)
    %get3A_13 = arith.constant 1 : index
    %get3A_14 = tpu.vector_load %arg5[%get3A_13] {strides = array<i32>} : memref<528xi32, #tpu.memory_space<vmem>>, vector<16xi32>,
    %slice3A_15 = vector.extract_strided_slice %get3A_14 {offsets = [0], sizes = [1], strides = [1]} : vector<16xi32> to vector<1xi32>
    %squeeze3A_16 = vector.extract %slice3A_15[0] : i32 from vector<1xi32>
    %mul3A_17 = arith.constant 768 : i32
    %mul3A_18 = arith.muli %squeeze3A_16, %mul3A_17 : i32
    %add3A_19 = arith.constant 1 : i32
    %add3A_20 = arith.addi %mul3A_2, %add3A_19 : i32
    %mul3A_21 = arith.constant 768 : i32
    %mul3A_22 = arith.muli %add3A_20, %mul3A_21 : i32
    %dma_start3A_23 = tpu.memref_slice %arg6[%mul3A_18] : memref<9216xf32, #tpu.memory_space<vmem>> -> memref<768xf32, #tpu.memory_space<vmem>>
    %dma_start3A_24 = tpu.memref_slice %arg4[%mul3A_22] : memref<12582912xf32, #tpu.memory_space<hbm>> -> memref<768xf32, #tpu.memory_space<hbm>>
    %dma_start3A_25 = tpu.memref_slice %arg4[%mul3A_22] : memref<12582912xf32, #tpu.memory_space<hbm>> -> memref<768xf32, #tpu.memory_space<hbm>>
    %dma_start3A_26 = tpu.memref_slice %arg6[%mul3A_18] : memref<9216xf32, #tpu.memory_space<vmem>> -> memref<768xf32, #tpu.memory_space<vmem>>
    tpu.enqueue_dma source(%dma_start3A_26 : memref<768xf32, #tpu.memory_space<vmem>>) target(%dma_start3A_25 : memref<768xf32, #tpu.memory_space<hbm>>) target_semaphore(%arg7 : memref<!tpu.dma_semaphore, #tpu.memory_space<semaphore_mem>>)
    %get3A_27 = arith.constant 2 : index
    %get3A_28 = tpu.vector_load %arg5[%get3A_27] {strides = array<i32>} : memref<528xi32, #tpu.memory_space<vmem>>, vector<16xi32>,
    %slice3A_29 = vector.extract_strided_slice %get3A_28 {offsets = [0], sizes = [1], strides = [1]} : vector<16xi32> to vector<1xi32>
    %squeeze3A_30 = vector.extract %slice3A_29[0] : i32 from vector<1xi32>
    %mul3A_31 = arith.constant 768 : i32
    %mul3A_32 = arith.muli %squeeze3A_30, %mul3A_31 : i32
    %add3A_33 = arith.constant 2 : i32
    %add3A_34 = arith.addi %mul3A_2, %add3A_33 : i32
    %mul3A_35 = arith.constant 768 : i32
    %mul3A_36 = arith.muli %add3A_34, %mul3A_35 : i32
    %dma_start3A_37 = tpu.memref_slice %arg6[%mul3A_32] : memref<9216xf32, #tpu.memory_space<vmem>> -> memref<768xf32, #tpu.memory_space<vmem>>
    %dma_start3A_38 = tpu.memref_slice %arg4[%mul3A_36] : memref<12582912xf32, #tpu.memory_space<hbm>> -> memref<768xf32, #tpu.memory_space<hbm>>
    %dma_start3A_39 = tpu.memref_slice %arg4[%mul3A_36] : memref<12582912xf32, #tpu.memory_space<hbm>> -> memref<768xf32, #tpu.memory_space<hbm>>
    %dma_start3A_40 = tpu.memref_slice %arg6[%mul3A_32] : memref<9216xf32, #tpu.memory_space<vmem>> -> memref<768xf32, #tpu.memory_space<vmem>>
    tpu.enqueue_dma source(%dma_start3A_40 : memref<768xf32, #tpu.memory_space<vmem>>) target(%dma_start3A_39 : memref<768xf32, #tpu.memory_space<hbm>>) target_semaphore(%arg7 : memref<!tpu.dma_semaphore, #tpu.memory_space<semaphore_mem>>)
    %get3A_41 = arith.constant 3 : index
    %get3A_42 = tpu.vector_load %arg5[%get3A_41] {strides = array<i32>} : memref<528xi32, #tpu.memory_space<vmem>>, vector<16xi32>,
    %slice3A_43 = vector.extract_strided_slice %get3A_42 {offsets = [0], sizes = [1], strides = [1]} : vector<16xi32> to vector<1xi32>
    %squeeze3A_44 = vector.extract %slice3A_43[0] : i32 from vector<1xi32>
    %mul3A_45 = arith.constant 768 : i32
    %mul3A_46 = arith.muli %squeeze3A_44, %mul3A_45 : i32
    %add3A_47 = arith.constant 3 : i32
    %add3A_48 = arith.addi %mul3A_2, %add3A_47 : i32
    %mul3A_49 = arith.constant 768 : i32
    %mul3A_50 = arith.muli %add3A_48, %mul3A_49 : i32
    %dma_start3A_51 = tpu.memref_slice %arg6[%mul3A_46] : memref<9216xf32, #tpu.memory_space<vmem>> -> memref<768xf32, #tpu.memory_space<vmem>>
    %dma_start3A_52 = tpu.memref_slice %arg4[%mul3A_50] : memref<12582912xf32, #tpu.memory_space<hbm>> -> memref<768xf32, #tpu.memory_space<hbm>>
    %dma_start3A_53 = tpu.memref_slice %arg4[%mul3A_50] : memref<12582912xf32, #tpu.memory_space<hbm>> -> memref<768xf32, #tpu.memory_space<hbm>>
    %dma_start3A_54 = tpu.memref_slice %arg6[%mul3A_46] : memref<9216xf32, #tpu.memory_space<vmem>> -> memref<768xf32, #tpu.memory_space<vmem>>
    tpu.enqueue_dma source(%dma_start3A_54 : memref<768xf32, #tpu.memory_space<vmem>>) target(%dma_start3A_53 : memref<768xf32, #tpu.memory_space<hbm>>) target_semaphore(%arg7 : memref<!tpu.dma_semaphore, #tpu.memory_space<semaphore_mem>>)
    %get3A_55 = arith.constant 4 : index
    %get3A_56 = tpu.vector_load %arg5[%get3A_55] {strides = array<i32>} : memref<528xi32, #tpu.memory_space<vmem>>, vector<16xi32>,
    %slice3A_57 = vector.extract_strided_slice %get3A_56 {offsets = [0], sizes = [1], strides = [1]} : vector<16xi32> to vector<1xi32>
    %squeeze3A_58 = vector.extract %slice3A_57[0] : i32 from vector<1xi32>
    %mul3A_59 = arith.constant 768 : i32
    %mul3A_60 = arith.muli %squeeze3A_58, %mul3A_59 : i32
    %add3A_61 = arith.constant 4 : i32
    %add3A_62 = arith.addi %mul3A_2, %add3A_61 : i32
    %mul3A_63 = arith.constant 768 : i32
    %mul3A_64 = arith.muli %add3A_62, %mul3A_63 : i32
    %dma_start3A_65 = tpu.memref_slice %arg6[%mul3A_60] : memref<9216xf32, #tpu.memory_space<vmem>> -> memref<768xf32, #tpu.memory_space<vmem>>
    %dma_start3A_66 = tpu.memref_slice %arg4[%mul3A_64] : memref<12582912xf32, #tpu.memory_space<hbm>> -> memref<768xf32, #tpu.memory_space<hbm>>
    %dma_start3A_67 = tpu.memref_slice %arg4[%mul3A_64] : memref<12582912xf32, #tpu.memory_space<hbm>> -> memref<768xf32, #tpu.memory_space<hbm>>
    %dma_start3A_68 = tpu.memref_slice %arg6[%mul3A_60] : memref<9216xf32, #tpu.memory_space<vmem>> -> memref<768xf32, #tpu.memory_space<vmem>>
    tpu.enqueue_dma source(%dma_start3A_68 : memref<768xf32, #tpu.memory_space<vmem>>) target(%dma_start3A_67 : memref<768xf32, #tpu.memory_space<hbm>>) target_semaphore(%arg7 : memref<!tpu.dma_semaphore, #tpu.memory_space<semaphore_mem>>)
    %get3A_69 = arith.constant 5 : index
    %get3A_70 = tpu.vector_load %arg5[%get3A_69] {strides = array<i32>} : memref<528xi32, #tpu.memory_space<vmem>>, vector<16xi32>,
    %slice3A_71 = vector.extract_strided_slice %get3A_70 {offsets = [0], sizes = [1], strides = [1]} : vector<16xi32> to vector<1xi32>
    %squeeze3A_72 = vector.extract %slice3A_71[0] : i32 from vector<1xi32>
    %mul3A_73 = arith.constant 768 : i32
    %mul3A_74 = arith.muli %squeeze3A_72, %mul3A_73 : i32
    %add3A_75 = arith.constant 5 : i32
    %add3A_76 = arith.addi %mul3A_2, %add3A_75 : i32
    %mul3A_77 = arith.constant 768 : i32
    %mul3A_78 = arith.muli %add3A_76, %mul3A_77 : i32
    %dma_start3A_79 = tpu.memref_slice %arg6[%mul3A_74] : memref<9216xf32, #tpu.memory_space<vmem>> -> memref<768xf32, #tpu.memory_space<vmem>>
    %dma_start3A_80 = tpu.memref_slice %arg4[%mul3A_78] : memref<12582912xf32, #tpu.memory_space<hbm>> -> memref<768xf32, #tpu.memory_space<hbm>>
    %dma_start3A_81 = tpu.memref_slice %arg4[%mul3A_78] : memref<12582912xf32, #tpu.memory_space<hbm>> -> memref<768xf32, #tpu.memory_space<hbm>>
    %dma_start3A_82 = tpu.memref_slice %arg6[%mul3A_74] : memref<9216xf32, #tpu.memory_space<vmem>> -> memref<768xf32, #tpu.memory_space<vmem>>
    tpu.enqueue_dma source(%dma_start3A_82 : memref<768xf32, #tpu.memory_space<vmem>>) target(%dma_start3A_81 : memref<768xf32, #tpu.memory_space<hbm>>) target_semaphore(%arg7 : memref<!tpu.dma_semaphore, #tpu.memory_space<semaphore_mem>>)
    %get3A_83 = arith.constant 6 : index
    %get3A_84 = tpu.vector_load %arg5[%get3A_83] {strides = array<i32>} : memref<528xi32, #tpu.memory_space<vmem>>, vector<16xi32>,
    %slice3A_85 = vector.extract_strided_slice %get3A_84 {offsets = [0], sizes = [1], strides = [1]} : vector<16xi32> to vector<1xi32>
    %squeeze3A_86 = vector.extract %slice3A_85[0] : i32 from vector<1xi32>
    %mul3A_87 = arith.constant 768 : i32
    %mul3A_88 = arith.muli %squeeze3A_86, %mul3A_87 : i32
    %add3A_89 = arith.constant 6 : i32
    %add3A_90 = arith.addi %mul3A_2, %add3A_89 : i32
    %mul3A_91 = arith.constant 768 : i32
    %mul3A_92 = arith.muli %add3A_90, %mul3A_91 : i32
    %dma_start3A_93 = tpu.memref_slice %arg6[%mul3A_88] : memref<9216xf32, #tpu.memory_space<vmem>> -> memref<768xf32, #tpu.memory_space<vmem>>
    %dma_start3A_94 = tpu.memref_slice %arg4[%mul3A_92] : memref<12582912xf32, #tpu.memory_space<hbm>> -> memref<768xf32, #tpu.memory_space<hbm>>
    %dma_start3A_95 = tpu.memref_slice %arg4[%mul3A_92] : memref<12582912xf32, #tpu.memory_space<hbm>> -> memref<768xf32, #tpu.memory_space<hbm>>
    %dma_start3A_96 = tpu.memref_slice %arg6[%mul3A_88] : memref<9216xf32, #tpu.memory_space<vmem>> -> memref<768xf32, #tpu.memory_space<vmem>>
    tpu.enqueue_dma source(%dma_start3A_96 : memref<768xf32, #tpu.memory_space<vmem>>) target(%dma_start3A_95 : memref<768xf32, #tpu.memory_space<hbm>>) target_semaphore(%arg7 : memref<!tpu.dma_semaphore, #tpu.memory_space<semaphore_mem>>)
    %get3A_97 = arith.constant 7 : index
    %get3A_98 = tpu.vector_load %arg5[%get3A_97] {strides = array<i32>} : memref<528xi32, #tpu.memory_space<vmem>>, vector<16xi32>,
    %slice3A_99 = vector.extract_strided_slice %get3A_98 {offsets = [0], sizes = [1], strides = [1]} : vector<16xi32> to vector<1xi32>
    %squeeze3A_100 = vector.extract %slice3A_99[0] : i32 from vector<1xi32>
    %mul3A_101 = arith.constant 768 : i32
    %mul3A_102 = arith.muli %squeeze3A_100, %mul3A_101 : i32
    %add3A_103 = arith.constant 7 : i32
    %add3A_104 = arith.addi %mul3A_2, %add3A_103 : i32
    %mul3A_105 = arith.constant 768 : i32
    %mul3A_106 = arith.muli %add3A_104, %mul3A_105 : i32
    %dma_start3A_107 = tpu.memref_slice %arg6[%mul3A_102] : memref<9216xf32, #tpu.memory_space<vmem>> -> memref<768xf32, #tpu.memory_space<vmem>>
    %dma_start3A_108 = tpu.memref_slice %arg4[%mul3A_106] : memref<12582912xf32, #tpu.memory_space<hbm>> -> memref<768xf32, #tpu.memory_space<hbm>>
    %dma_start3A_109 = tpu.memref_slice %arg4[%mul3A_106] : memref<12582912xf32, #tpu.memory_space<hbm>> -> memref<768xf32, #tpu.memory_space<hbm>>
    %dma_start3A_110 = tpu.memref_slice %arg6[%mul3A_102] : memref<9216xf32, #tpu.memory_space<vmem>> -> memref<768xf32, #tpu.memory_space<vmem>>
    tpu.enqueue_dma source(%dma_start3A_110 : memref<768xf32, #tpu.memory_space<vmem>>) target(%dma_start3A_109 : memref<768xf32, #tpu.memory_space<hbm>>) target_semaphore(%arg7 : memref<!tpu.dma_semaphore, #tpu.memory_space<semaphore_mem>>)
    %scan3A = arith.constant 0 : i32
    %scan3A_111 = arith.constant 0 : i32
    %scan3A_112 = arith.constant 504 : i32
    %scan3A_113 = arith.addi %scan3A_111, %scan3A_112 : i32
    %scan3A_114 = arith.constant 1 : i32
    %scan3A_115 = scf.for %scan3A_228 = %scan3A_111 to %scan3A_113 step %scan3A_114 iter_args(%scan3A_229 = %scan3A) -> (i32)  : i32 {
      %add3A_230 = arith.constant 8 : i32
      %add3A_231 = arith.addi %scan3A_228, %add3A_230 : i32
      %get3A_232 = arith.index_cast %add3A_231 : i32 to index
      %get3A_233 = tpu.vector_load %arg5[%get3A_232] {strides = array<i32>} : memref<528xi32, #tpu.memory_space<vmem>>, vector<16xi32>,
      %slice3A_234 = vector.extract_strided_slice %get3A_233 {offsets = [0], sizes = [1], strides = [1]} : vector<16xi32> to vector<1xi32>
      %squeeze3A_235 = vector.extract %slice3A_234[0] : i32 from vector<1xi32>
      %mul3A_236 = arith.constant 768 : i32
      %mul3A_237 = arith.muli %squeeze3A_235, %mul3A_236 : i32
      %add3A_238 = arith.addi %mul3A_2, %add3A_231 : i32
      %mul3A_239 = arith.constant 768 : i32
      %mul3A_240 = arith.muli %add3A_238, %mul3A_239 : i32
      %dma_start3A_241 = tpu.memref_slice %arg6[%mul3A_237] : memref<9216xf32, #tpu.memory_space<vmem>> -> memref<768xf32, #tpu.memory_space<vmem>>
      %dma_start3A_242 = tpu.memref_slice %arg4[%mul3A_240] : memref<12582912xf32, #tpu.memory_space<hbm>> -> memref<768xf32, #tpu.memory_space<hbm>>
      %dma_start3A_243 = tpu.memref_slice %arg4[%mul3A_240] : memref<12582912xf32, #tpu.memory_space<hbm>> -> memref<768xf32, #tpu.memory_space<hbm>>
      %dma_start3A_244 = tpu.memref_slice %arg6[%mul3A_237] : memref<9216xf32, #tpu.memory_space<vmem>> -> memref<768xf32, #tpu.memory_space<vmem>>
      tpu.enqueue_dma source(%dma_start3A_244 : memref<768xf32, #tpu.memory_space<vmem>>) target(%dma_start3A_243 : memref<768xf32, #tpu.memory_space<hbm>>) target_semaphore(%arg7 : memref<!tpu.dma_semaphore, #tpu.memory_space<semaphore_mem>>)
      %get3A_245 = arith.index_cast %scan3A_228 : i32 to index
      %get3A_246 = tpu.vector_load %arg5[%get3A_245] {strides = array<i32>} : memref<528xi32, #tpu.memory_space<vmem>>, vector<16xi32>,
      %slice3A_247 = vector.extract_strided_slice %get3A_246 {offsets = [0], sizes = [1], strides = [1]} : vector<16xi32> to vector<1xi32>
      %squeeze3A_248 = vector.extract %slice3A_247[0] : i32 from vector<1xi32>
      %mul3A_249 = arith.constant 768 : i32
      %mul3A_250 = arith.muli %squeeze3A_248, %mul3A_249 : i32
      %add3A_251 = arith.addi %mul3A_2, %scan3A_228 : i32
      %mul3A_252 = arith.constant 768 : i32
      %mul3A_253 = arith.muli %add3A_251, %mul3A_252 : i32
      %dma_wait3A_254 = tpu.memref_slice %arg6[%mul3A_250] : memref<9216xf32, #tpu.memory_space<vmem>> -> memref<768xf32, #tpu.memory_space<vmem>>
      %dma_wait3A_255 = tpu.memref_slice %arg4[%mul3A_253] : memref<12582912xf32, #tpu.memory_space<hbm>> -> memref<768xf32, #tpu.memory_space<hbm>>
      %dma_wait3A_256 = tpu.memref_slice %arg4[%mul3A_253] : memref<12582912xf32, #tpu.memory_space<hbm>> -> memref<768xf32, #tpu.memory_space<hbm>>
      %dma_wait3A_257 = tpu.memref_slice %arg6[%mul3A_250] : memref<9216xf32, #tpu.memory_space<vmem>> -> memref<768xf32, #tpu.memory_space<vmem>>
      tpu.wait_dma2 semaphore(%arg7 : memref<!tpu.dma_semaphore, #tpu.memory_space<semaphore_mem>>) src(%dma_wait3A_257 : memref<768xf32, #tpu.memory_space<vmem>>) dst(%dma_wait3A_256 : memref<768xf32, #tpu.memory_space<hbm>>)
      %scan3A_258 = arith.constant 0 : i32
      scf.yield %scan3A_258 : i32
    }
    %scan3A_116 = arith.constant 504 : i32
    %get3A_117 = arith.constant 504 : index
    %get3A_118 = tpu.vector_load %arg5[%get3A_117] {strides = array<i32>} : memref<528xi32, #tpu.memory_space<vmem>>, vector<16xi32>,
    %slice3A_119 = vector.extract_strided_slice %get3A_118 {offsets = [0], sizes = [1], strides = [1]} : vector<16xi32> to vector<1xi32>
    %squeeze3A_120 = vector.extract %slice3A_119[0] : i32 from vector<1xi32>
    %mul3A_121 = arith.constant 768 : i32
    %mul3A_122 = arith.muli %squeeze3A_120, %mul3A_121 : i32
    %add3A_123 = arith.constant 504 : i32
    %add3A_124 = arith.addi %mul3A_2, %add3A_123 : i32
    %mul3A_125 = arith.constant 768 : i32
    %mul3A_126 = arith.muli %add3A_124, %mul3A_125 : i32
    %dma_wait3A = tpu.memref_slice %arg6[%mul3A_122] : memref<9216xf32, #tpu.memory_space<vmem>> -> memref<768xf32, #tpu.memory_space<vmem>>
    %dma_wait3A_127 = tpu.memref_slice %arg4[%mul3A_126] : memref<12582912xf32, #tpu.memory_space<hbm>> -> memref<768xf32, #tpu.memory_space<hbm>>
    %dma_wait3A_128 = tpu.memref_slice %arg4[%mul3A_126] : memref<12582912xf32, #tpu.memory_space<hbm>> -> memref<768xf32, #tpu.memory_space<hbm>>
    %dma_wait3A_129 = tpu.memref_slice %arg6[%mul3A_122] : memref<9216xf32, #tpu.memory_space<vmem>> -> memref<768xf32, #tpu.memory_space<vmem>>
    tpu.wait_dma2 semaphore(%arg7 : memref<!tpu.dma_semaphore, #tpu.memory_space<semaphore_mem>>) src(%dma_wait3A_129 : memref<768xf32, #tpu.memory_space<vmem>>) dst(%dma_wait3A_128 : memref<768xf32, #tpu.memory_space<hbm>>)
    %get3A_130 = arith.constant 505 : index
    %get3A_131 = tpu.vector_load %arg5[%get3A_130] {strides = array<i32>} : memref<528xi32, #tpu.memory_space<vmem>>, vector<16xi32>,
    %slice3A_132 = vector.extract_strided_slice %get3A_131 {offsets = [0], sizes = [1], strides = [1]} : vector<16xi32> to vector<1xi32>
    %squeeze3A_133 = vector.extract %slice3A_132[0] : i32 from vector<1xi32>
    %mul3A_134 = arith.constant 768 : i32
    %mul3A_135 = arith.muli %squeeze3A_133, %mul3A_134 : i32
    %add3A_136 = arith.constant 505 : i32
    %add3A_137 = arith.addi %mul3A_2, %add3A_136 : i32
    %mul3A_138 = arith.constant 768 : i32
    %mul3A_139 = arith.muli %add3A_137, %mul3A_138 : i32
    %dma_wait3A_140 = tpu.memref_slice %arg6[%mul3A_135] : memref<9216xf32, #tpu.memory_space<vmem>> -> memref<768xf32, #tpu.memory_space<vmem>>
    %dma_wait3A_141 = tpu.memref_slice %arg4[%mul3A_139] : memref<12582912xf32, #tpu.memory_space<hbm>> -> memref<768xf32, #tpu.memory_space<hbm>>
    %dma_wait3A_142 = tpu.memref_slice %arg4[%mul3A_139] : memref<12582912xf32, #tpu.memory_space<hbm>> -> memref<768xf32, #tpu.memory_space<hbm>>
    %dma_wait3A_143 = tpu.memref_slice %arg6[%mul3A_135] : memref<9216xf32, #tpu.memory_space<vmem>> -> memref<768xf32, #tpu.memory_space<vmem>>
    tpu.wait_dma2 semaphore(%arg7 : memref<!tpu.dma_semaphore, #tpu.memory_space<semaphore_mem>>) src(%dma_wait3A_143 : memref<768xf32, #tpu.memory_space<vmem>>) dst(%dma_wait3A_142 : memref<768xf32, #tpu.memory_space<hbm>>)
    %get3A_144 = arith.constant 506 : index
    %get3A_145 = tpu.vector_load %arg5[%get3A_144] {strides = array<i32>} : memref<528xi32, #tpu.memory_space<vmem>>, vector<16xi32>,
    %slice3A_146 = vector.extract_strided_slice %get3A_145 {offsets = [0], sizes = [1], strides = [1]} : vector<16xi32> to vector<1xi32>
    %squeeze3A_147 = vector.extract %slice3A_146[0] : i32 from vector<1xi32>
    %mul3A_148 = arith.constant 768 : i32
    %mul3A_149 = arith.muli %squeeze3A_147, %mul3A_148 : i32
    %add3A_150 = arith.constant 506 : i32
    %add3A_151 = arith.addi %mul3A_2, %add3A_150 : i32
    %mul3A_152 = arith.constant 768 : i32
    %mul3A_153 = arith.muli %add3A_151, %mul3A_152 : i32
    %dma_wait3A_154 = tpu.memref_slice %arg6[%mul3A_149] : memref<9216xf32, #tpu.memory_space<vmem>> -> memref<768xf32, #tpu.memory_space<vmem>>
    %dma_wait3A_155 = tpu.memref_slice %arg4[%mul3A_153] : memref<12582912xf32, #tpu.memory_space<hbm>> -> memref<768xf32, #tpu.memory_space<hbm>>
    %dma_wait3A_156 = tpu.memref_slice %arg4[%mul3A_153] : memref<12582912xf32, #tpu.memory_space<hbm>> -> memref<768xf32, #tpu.memory_space<hbm>>
    %dma_wait3A_157 = tpu.memref_slice %arg6[%mul3A_149] : memref<9216xf32, #tpu.memory_space<vmem>> -> memref<768xf32, #tpu.memory_space<vmem>>
    tpu.wait_dma2 semaphore(%arg7 : memref<!tpu.dma_semaphore, #tpu.memory_space<semaphore_mem>>) src(%dma_wait3A_157 : memref<768xf32, #tpu.memory_space<vmem>>) dst(%dma_wait3A_156 : memref<768xf32, #tpu.memory_space<hbm>>)
    %get3A_158 = arith.constant 507 : index
    %get3A_159 = tpu.vector_load %arg5[%get3A_158] {strides = array<i32>} : memref<528xi32, #tpu.memory_space<vmem>>, vector<16xi32>,
    %slice3A_160 = vector.extract_strided_slice %get3A_159 {offsets = [0], sizes = [1], strides = [1]} : vector<16xi32> to vector<1xi32>
    %squeeze3A_161 = vector.extract %slice3A_160[0] : i32 from vector<1xi32>
    %mul3A_162 = arith.constant 768 : i32
    %mul3A_163 = arith.muli %squeeze3A_161, %mul3A_162 : i32
    %add3A_164 = arith.constant 507 : i32
    %add3A_165 = arith.addi %mul3A_2, %add3A_164 : i32
    %mul3A_166 = arith.constant 768 : i32
    %mul3A_167 = arith.muli %add3A_165, %mul3A_166 : i32
    %dma_wait3A_168 = tpu.memref_slice %arg6[%mul3A_163] : memref<9216xf32, #tpu.memory_space<vmem>> -> memref<768xf32, #tpu.memory_space<vmem>>
    %dma_wait3A_169 = tpu.memref_slice %arg4[%mul3A_167] : memref<12582912xf32, #tpu.memory_space<hbm>> -> memref<768xf32, #tpu.memory_space<hbm>>
    %dma_wait3A_170 = tpu.memref_slice %arg4[%mul3A_167] : memref<12582912xf32, #tpu.memory_space<hbm>> -> memref<768xf32, #tpu.memory_space<hbm>>
    %dma_wait3A_171 = tpu.memref_slice %arg6[%mul3A_163] : memref<9216xf32, #tpu.memory_space<vmem>> -> memref<768xf32, #tpu.memory_space<vmem>>
    tpu.wait_dma2 semaphore(%arg7 : memref<!tpu.dma_semaphore, #tpu.memory_space<semaphore_mem>>) src(%dma_wait3A_171 : memref<768xf32, #tpu.memory_space<vmem>>) dst(%dma_wait3A_170 : memref<768xf32, #tpu.memory_space<hbm>>)
    %get3A_172 = arith.constant 508 : index
    %get3A_173 = tpu.vector_load %arg5[%get3A_172] {strides = array<i32>} : memref<528xi32, #tpu.memory_space<vmem>>, vector<16xi32>,
    %slice3A_174 = vector.extract_strided_slice %get3A_173 {offsets = [0], sizes = [1], strides = [1]} : vector<16xi32> to vector<1xi32>
    %squeeze3A_175 = vector.extract %slice3A_174[0] : i32 from vector<1xi32>
    %mul3A_176 = arith.constant 768 : i32
    %mul3A_177 = arith.muli %squeeze3A_175, %mul3A_176 : i32
    %add3A_178 = arith.constant 508 : i32
    %add3A_179 = arith.addi %mul3A_2, %add3A_178 : i32
    %mul3A_180 = arith.constant 768 : i32
    %mul3A_181 = arith.muli %add3A_179, %mul3A_180 : i32
    %dma_wait3A_182 = tpu.memref_slice %arg6[%mul3A_177] : memref<9216xf32, #tpu.memory_space<vmem>> -> memref<768xf32, #tpu.memory_space<vmem>>
    %dma_wait3A_183 = tpu.memref_slice %arg4[%mul3A_181] : memref<12582912xf32, #tpu.memory_space<hbm>> -> memref<768xf32, #tpu.memory_space<hbm>>
    %dma_wait3A_184 = tpu.memref_slice %arg4[%mul3A_181] : memref<12582912xf32, #tpu.memory_space<hbm>> -> memref<768xf32, #tpu.memory_space<hbm>>
    %dma_wait3A_185 = tpu.memref_slice %arg6[%mul3A_177] : memref<9216xf32, #tpu.memory_space<vmem>> -> memref<768xf32, #tpu.memory_space<vmem>>
    tpu.wait_dma2 semaphore(%arg7 : memref<!tpu.dma_semaphore, #tpu.memory_space<semaphore_mem>>) src(%dma_wait3A_185 : memref<768xf32, #tpu.memory_space<vmem>>) dst(%dma_wait3A_184 : memref<768xf32, #tpu.memory_space<hbm>>)
    %get3A_186 = arith.constant 509 : index
    %get3A_187 = tpu.vector_load %arg5[%get3A_186] {strides = array<i32>} : memref<528xi32, #tpu.memory_space<vmem>>, vector<16xi32>,
    %slice3A_188 = vector.extract_strided_slice %get3A_187 {offsets = [0], sizes = [1], strides = [1]} : vector<16xi32> to vector<1xi32>
    %squeeze3A_189 = vector.extract %slice3A_188[0] : i32 from vector<1xi32>
    %mul3A_190 = arith.constant 768 : i32
    %mul3A_191 = arith.muli %squeeze3A_189, %mul3A_190 : i32
    %add3A_192 = arith.constant 509 : i32
    %add3A_193 = arith.addi %mul3A_2, %add3A_192 : i32
    %mul3A_194 = arith.constant 768 : i32
    %mul3A_195 = arith.muli %add3A_193, %mul3A_194 : i32
    %dma_wait3A_196 = tpu.memref_slice %arg6[%mul3A_191] : memref<9216xf32, #tpu.memory_space<vmem>> -> memref<768xf32, #tpu.memory_space<vmem>>
    %dma_wait3A_197 = tpu.memref_slice %arg4[%mul3A_195] : memref<12582912xf32, #tpu.memory_space<hbm>> -> memref<768xf32, #tpu.memory_space<hbm>>
    %dma_wait3A_198 = tpu.memref_slice %arg4[%mul3A_195] : memref<12582912xf32, #tpu.memory_space<hbm>> -> memref<768xf32, #tpu.memory_space<hbm>>
    %dma_wait3A_199 = tpu.memref_slice %arg6[%mul3A_191] : memref<9216xf32, #tpu.memory_space<vmem>> -> memref<768xf32, #tpu.memory_space<vmem>>
    tpu.wait_dma2 semaphore(%arg7 : memref<!tpu.dma_semaphore, #tpu.memory_space<semaphore_mem>>) src(%dma_wait3A_199 : memref<768xf32, #tpu.memory_space<vmem>>) dst(%dma_wait3A_198 : memref<768xf32, #tpu.memory_space<hbm>>)
    %get3A_200 = arith.constant 510 : index
    %get3A_201 = tpu.vector_load %arg5[%get3A_200] {strides = array<i32>} : memref<528xi32, #tpu.memory_space<vmem>>, vector<16xi32>,
    %slice3A_202 = vector.extract_strided_slice %get3A_201 {offsets = [0], sizes = [1], strides = [1]} : vector<16xi32> to vector<1xi32>
    %squeeze3A_203 = vector.extract %slice3A_202[0] : i32 from vector<1xi32>
    %mul3A_204 = arith.constant 768 : i32
    %mul3A_205 = arith.muli %squeeze3A_203, %mul3A_204 : i32
    %add3A_206 = arith.constant 510 : i32
    %add3A_207 = arith.addi %mul3A_2, %add3A_206 : i32
    %mul3A_208 = arith.constant 768 : i32
    %mul3A_209 = arith.muli %add3A_207, %mul3A_208 : i32
    %dma_wait3A_210 = tpu.memref_slice %arg6[%mul3A_205] : memref<9216xf32, #tpu.memory_space<vmem>> -> memref<768xf32, #tpu.memory_space<vmem>>
    %dma_wait3A_211 = tpu.memref_slice %arg4[%mul3A_209] : memref<12582912xf32, #tpu.memory_space<hbm>> -> memref<768xf32, #tpu.memory_space<hbm>>
    %dma_wait3A_212 = tpu.memref_slice %arg4[%mul3A_209] : memref<12582912xf32, #tpu.memory_space<hbm>> -> memref<768xf32, #tpu.memory_space<hbm>>
    %dma_wait3A_213 = tpu.memref_slice %arg6[%mul3A_205] : memref<9216xf32, #tpu.memory_space<vmem>> -> memref<768xf32, #tpu.memory_space<vmem>>
    tpu.wait_dma2 semaphore(%arg7 : memref<!tpu.dma_semaphore, #tpu.memory_space<semaphore_mem>>) src(%dma_wait3A_213 : memref<768xf32, #tpu.memory_space<vmem>>) dst(%dma_wait3A_212 : memref<768xf32, #tpu.memory_space<hbm>>)
    %get3A_214 = arith.constant 511 : index
    %get3A_215 = tpu.vector_load %arg5[%get3A_214] {strides = array<i32>} : memref<528xi32, #tpu.memory_space<vmem>>, vector<16xi32>,
    %slice3A_216 = vector.extract_strided_slice %get3A_215 {offsets = [0], sizes = [1], strides = [1]} : vector<16xi32> to vector<1xi32>
    %squeeze3A_217 = vector.extract %slice3A_216[0] : i32 from vector<1xi32>
    %mul3A_218 = arith.constant 768 : i32
    %mul3A_219 = arith.muli %squeeze3A_217, %mul3A_218 : i32
    %add3A_220 = arith.constant 511 : i32
    %add3A_221 = arith.addi %mul3A_2, %add3A_220 : i32
    %mul3A_222 = arith.constant 768 : i32
    %mul3A_223 = arith.muli %add3A_221, %mul3A_222 : i32
    %dma_wait3A_224 = tpu.memref_slice %arg6[%mul3A_219] : memref<9216xf32, #tpu.memory_space<vmem>> -> memref<768xf32, #tpu.memory_space<vmem>>
    %dma_wait3A_225 = tpu.memref_slice %arg4[%mul3A_223] : memref<12582912xf32, #tpu.memory_space<hbm>> -> memref<768xf32, #tpu.memory_space<hbm>>
    %dma_wait3A_226 = tpu.memref_slice %arg4[%mul3A_223] : memref<12582912xf32, #tpu.memory_space<hbm>> -> memref<768xf32, #tpu.memory_space<hbm>>
    %dma_wait3A_227 = tpu.memref_slice %arg6[%mul3A_219] : memref<9216xf32, #tpu.memory_space<vmem>> -> memref<768xf32, #tpu.memory_space<vmem>>
    tpu.wait_dma2 semaphore(%arg7 : memref<!tpu.dma_semaphore, #tpu.memory_space<semaphore_mem>>) src(%dma_wait3A_227 : memref<768xf32, #tpu.memory_space<vmem>>) dst(%dma_wait3A_226 : memref<768xf32, #tpu.memory_space<hbm>>)
    return
  }
}

</mosaic_0001>

<sc_bundles>
// kernel: kernel.3.cloned.1.call-start
scs
__scs_entry_jumppad:
0x0: {  	(pc) =	sbr.rel $0x88, $3  }
0x1: {  	(tag) =	ssettag $0x0;
	lr =	simm.s32 $0x1  }
0x2: {  	[smem:$0x3F9F] =	sst lr;
	_ =	strace $0xD0000000  }
0x3: {  	_ = 	snop  }
0x4: {  	_ = 	snop  }
0x5: {  	_ = 	snop  }
0x6: {  	_ = 	snop  }
0x7: {  	_ = 	snop  }
__scs_overlays_trampoline_lowered:
0x8: {  	[smem:$0x3FAE] =	sst s0  }
0x9: {  	[smem:$0x3FAF] =	sst s1  }
0xa: {  	[smem:$0x3FB0] =	sst s2  }
0xb: {  	[smem:$0x3FB1] =	sst s3  }
0xc: {  	[smem:$0x3FB2] =	sst s4  }
0xd: {  	[smem:$0x3FB3] =	sst s5  }
0xe: {  	[smem:$0x3FB4] =	sst s6  }
0xf: {  	[smem:$0x3FB5] =	sst s7  }
0x10: {  	[smem:$0x3FB6] =	sst s8  }
0x11: {  	[smem:$0x3FB7] =	sst s9;
	s0 =	simm.s32 @!p0 $0x0  }
0x12: {  	s1 =	sld [smem:$0x3F9D];
	s0 =	simm.s32 @p0 $0x1  }
0x13: {  	[smem:$0x3FB8] =	sst s0;
	s0 =	simm.s32 @!p1 $0x0  }
0x14: {  	s2 =	sld [smem:$0x3F9C];
	s0 =	simm.s32 @p1 $0x1  }
0x15: {  	[smem:$0x3FB9] =	sst s0;
	s0 =	simm.s32 @!p2 $0x0  }
0x16: {  	s3 =	sld [smem:$0x3FDB];
	s0 =	simm.s32 @p2 $0x1  }
0x17: {  	s4 =	simm.s32 $0x1BF5;
	[smem:$0x3FBB] =	sst s0  }
0x18: {  	s0 =	sld [smem:$0x3F9E];
	_ =	swait.ge [sflag:s4], $0x0  }
0x19: {  	s7 =	sld [smem:$0x3F9F]  }
0x1a: {  	s8 =	sadd.s32 $0xFFFFE003, lr  }
0x1b: {  	s9 =	sadd.s32 $0xFFFFFEF7, lr;
	s5 =	simm.s32 $0xFFFFFFFF;
	p2 =	slt.u32 s8, $0xFFFFF086  }
0x1c: {  	p1 =	slt.u32 s9, $0xF7A;
	s5 =	simm.s32 @!p2 $0x0  }
0x1d: {  	s5 =	simm.s32 @p1 $0x1;
	p0 =	seq.s32 s7, s2  }
0x1e: {  	s7 =	smul.u32 @!p0 $0xF7A, s2;
	p2 =	seq.s32 @!p0 s5, $0x0  }
0x1f: {  	s9 =	smul.u32 $0xF7A, s1;
	s8 =	simm.s32 @!p0 $0x1BF5;
	p2 =	por !p2, p0  }
0x20: {  	[sflag:s8] =	ssyncset.s32 @!p0 $0xFFFFF086;
	s6 =	sadd.s32 @!p0 s3, s7;
	s7 =	simm.s32 @!p0 $0x108  }
0x21: {  	s3 =	sadd.s32 s3, s9;
	s6 =	sadd.s32 @!p0 $0x88, s6;
	s7 =	simm.s32 @p2 $0x1082  }
0x22: {  	[simem:s7], [sflag:s8] =	dma.local @!p0 [hbm:s6], $0xF7A  }
0x23: {  	s9 =	sor.u32 $0xD0000000, s2;
	s6 =	simm.s32 $0x108;
	_ =	swait.ge @!p0 [sflag:s8], $0x0  }
0x24: {  	s3 =	sadd.s32 $0x88, s3;
	s6 =	simm.s32 @!p1 $0x1082;
	[sflag:s4] =	ssyncset.s32 $0xFFFFF086  }
0x25: {  	[simem:s6], [sflag:s4] =	dma.local [hbm:s3], $0xF7A  }
0x26: {  	[smem:$0x3F9F] =	sst s1;
	(tag) =	ssettag s2;
	_ =	strace s9  }
0x27: {  	s1 =	sld [smem:$0x3FAF]  }
0x28: {  	s2 =	sld [smem:$0x3FB0]  }
0x29: {  	s4 =	sld [smem:$0x3FB2]  }
0x2a: {  	p0 =	seq.s32 s5, $0x0;
	s5 =	sld [smem:$0x3FB3]  }
0x2b: {  	s6 =	sld [smem:$0x3FB4]  }
0x2c: {  	s7 =	sld [smem:$0x3FB5]  }
0x2d: {  	s3 =	simm.s32 $0x108;
	s8 =	sld [smem:$0x3FB6]  }
0x2e: {  	s3 =	simm.s32 @!p0 $0x1082;
	s9 =	sld [smem:$0x3FB7]  }
0x2f: {  	lr =	sadd.s32 s0, s3;
	s0 =	sld [smem:$0x3FAE]  }
0x30: {  	s3 =	sld [smem:$0x3FB1]  }
0x31: {  	[smem:$0x3FBA] =	sst s10  }
0x32: {  	s10 =	sld [smem:$0x3FB8];
	_ =	sdelay $0x3  }
0x33: {  	p0 =	seq.s32 s10, $0x1;
	s10 =	sld [smem:$0x3FBA];
	_ =	sdelay $0x3  }
0x34: {  	[smem:$0x3FBA] =	sst s10  }
0x35: {  	s10 =	sld [smem:$0x3FB9];
	_ =	sdelay $0x3  }
0x36: {  	p1 =	seq.s32 s10, $0x1;
	s10 =	sld [smem:$0x3FBA];
	_ =	sdelay $0x3  }
0x37: {  	[smem:$0x3FBA] =	sst s10  }
0x38: {  	s10 =	sld [smem:$0x3FBB]  }
0x39: {  	_ = 	snop;
	(pc) =	sbr.ind lr, $3  }
0x3a: {  	_ = 	snop  }
0x3b: {  	_ = 	snop  }
0x3c: {  	p2 =	seq.s32 s10, $0x1;
	s10 =	sld [smem:$0x3FBA]  }
0x3d: {  	_ =	shalt  }
0x3e: {  	_ =	shalt  }
0x3f: {  	_ =	shalt  }
0x40: {  	_ =	shalt  }
0x41: {  	_ =	shalt  }
0x42: {  	_ =	shalt  }
0x43: {  	_ =	shalt  }
0x44: {  	_ =	shalt  }
0x45: {  	_ =	shalt  }
0x46: {  	_ =	shalt  }
0x47: {  	_ =	shalt  }
0x48: {  	_ =	shalt  }
0x49: {  	_ =	shalt  }
0x4a: {  	_ =	shalt  }
0x4b: {  	_ =	shalt  }
0x4c: {  	_ =	shalt  }
0x4d: {  	_ =	shalt  }
0x4e: {  	_ =	shalt  }
0x4f: {  	_ =	shalt  }
0x50: {  	_ =	shalt  }
0x51: {  	_ =	shalt  }
0x52: {  	_ =	shalt  }
0x53: {  	_ =	shalt  }
0x54: {  	_ =	shalt  }
0x55: {  	_ =	shalt  }
0x56: {  	_ =	shalt  }
0x57: {  	_ =	shalt  }
0x58: {  	_ =	shalt  }
0x59: {  	_ =	shalt  }
0x5a: {  	_ =	shalt  }
0x5b: {  	_ =	shalt  }
0x5c: {  	_ =	shalt  }
0x5d: {  	_ =	shalt  }
0x5e: {  	_ =	shalt  }
0x5f: {  	_ =	shalt  }
0x60: {  	_ =	shalt  }
0x61: {  	_ =	shalt  }
0x62: {  	_ =	shalt  }
0x63: {  	_ =	shalt  }
0x64: {  	_ =	shalt  }
0x65: {  	_ =	shalt  }
0x66: {  	_ =	shalt  }
0x67: {  	_ =	shalt  }
0x68: {  	_ =	shalt  }
0x69: {  	_ =	shalt  }
0x6a: {  	_ =	shalt  }
0x6b: {  	_ =	shalt  }
0x6c: {  	_ =	shalt  }
0x6d: {  	_ =	shalt  }
0x6e: {  	_ =	shalt  }
0x6f: {  	_ =	shalt  }
0x70: {  	_ =	shalt  }
0x71: {  	_ =	shalt  }
0x72: {  	_ =	shalt  }
0x73: {  	_ =	shalt  }
0x74: {  	_ =	shalt  }
0x75: {  	_ =	shalt  }
0x76: {  	_ =	shalt  }
0x77: {  	_ =	shalt  }
0x78: {  	_ =	shalt  }
0x79: {  	_ =	shalt  }
0x7a: {  	_ =	shalt  }
0x7b: {  	_ =	shalt  }
0x7c: {  	_ =	shalt  }
0x7d: {  	_ =	shalt  }
0x7e: {  	_ =	shalt  }
0x7f: {  	_ =	shalt  }
0x80: {  	_ =	shalt  }
0x81: {  	_ =	shalt  }
0x82: {  	_ =	shalt  }
0x83: {  	_ =	shalt  }
0x84: {  	_ =	shalt  }
0x85: {  	_ =	shalt  }
0x86: {  	_ =	shalt  }
0x87: {  	_ =	shalt  }
.Lfunc_end0:
.L_simem_size_0:
called_computation_lowered:
.L_overlay_start_0:
0x88: {  	s2 =	sld [smem:$0x3FD9]  }
0x89: {  	s3 =	sld [smem:$0x3FFE];
	_ =	sdelay $0x1  }
0x8a: {  	s1 =	srdreg.scid  }
0x8b: {  	s0 =	sand.u32 $0x1, s1  }
0x8c: {  	s17 =	sshll.u32 s0, $0xA;
	s2 =	sadd.s32 s3, s2  }
0x8d: {  	s2 =	sadd.s32 s2, s17  }
0x8e: {  	[smem:$0x3FC6] =	sst s2  }
0x8f: {  	_ = 	snop  }
0x90: {  	s2 =	sld [smem:$0x3FC9]  }
0x91: {  	s18 =	sld [smem:$0x3FD0];
	(tm) =	ssettm $0x1  }
0x92: {  	s4 =	sld [smem:$0x3FFB];
	_ =	sdelay $0x3  }
0x93: {  	_ =	strace s4  }
0x94: {  	s4 =	sld [smem:$0x3FFC];
	_ =	sdelay $0x3  }
0x95: {  	_ =	strace s4  }
0x96: {  	s4 =	sld [smem:$0x3FFD];
	_ =	sdelay $0x3  }
0x97: {  	_ =	strace s4  }
0x98: {  	_ =	strace $0x8FFFFFFF  }
0x99: {  	s19 =	sld [smem:$0x3FDB];
	_ =	sdelay $0x1  }
0x9a: {  	s5 =	simm.s32 $_scs_section_size  }
0x9b: {  	s6 =	simm.s32 $_size__tile_overlayer_lowered;
	s7 =	simm.s32 $_tile_overlayer_lowered  }
0x9c: {  	s22 =	simm.s32 $0x1BFF;
	s21 =	sshll.u32 s7, $0x1;
	s4 =	sadd.s32 s5, s19  }
0x9d: {  	s8 =	simm.s32 $0x0;
	s20 =	sshll.u32 s6, $0x1;
	s6 =	sadd.s32 s21, s4  }
0x9e: {  	[timem:s8], [sflag:s22] =	dma.local [hbm:s6], s20  }
0x9f: {  	_ =	swait.ge [sflag:s22], s20  }
0xa0: {  	s5 =	ssub.s32 $0x0, s20;
	[sflag:s22] =	ssyncset.done $0x0  }
0xa1: {  	[sflag:s22] =	ssyncadd.s32 s5;
	_ =	sdelay $0x1  }
0xa2: {  	s23 =	simm.s32 $0x1B8B  }
0xa3: {  	_ =	swait.ge [sflag:s23], $0x1  }
0xa4: {  	[sflag:s23] =	ssyncset.done $0x0  }
0xa5: {  	s25 =	simm.s32 $0x1B8E;
	s24 =	sld [smem:$0x3FFE];
	[sflag:s23] =	ssyncadd.s32 $0xFFFFFFFF  }
0xa6: {  	s26 =	simm.s32 $execute0_lowered;
	[smem:$0x3FD2] =	sst s25  }
0xa7: {  	s6 =	sshll.u32 s26, $0x1;
	_ =	strace $0x80000046;
	[dreg:$0x1] =	wrdreg $0xFFFFFFFF  }
0xa8: {  	s28 =	simm.s32 $_size_execute0_lowered;
	s4 =	sadd.s32 s4, s6;
	[dreg:$0x0] =	wrdreg $0x0  }
0xa9: {  	s6 =	sshll.u32 s28, $0x1;
	[dreg:$0x2] =	wrdreg s4  }
0xaa: {  	[dreg:$0x3] =	wrdreg s6  }
0xab: {  	[dreg:$0x4] =	wrdreg $0xC0  }
0xac: {  	_ =	task [dreg:s8], $0x5FFFF  }
0xad: {  	[dreg:$0x1] =	wrdreg $0xFFFFFFFF  }
0xae: {  	[dreg:$0x0] =	wrdreg $0x60  }
0xaf: {  	[dreg:$0x2] =	wrdreg s2  }
0xb0: {  	[dreg:$0x3] =	wrdreg s18  }
0xb1: {  	[dreg:$0x4] =	wrdreg s24  }
0xb2: {  	[dreg:$0x5] =	wrdreg $0x9  }
0xb3: {  	_ =	task.clear_ibuf [dreg:s8], $0x6FFFF;
	_ =	strace $0x90000046  }
0xb4: {  	s29 =	simm.s32 $0x9;
	_ =	strace $0x80000048  }
0xb5: {  	_ =	swait.ge [sflag:s29], $0x1  }
0xb6: {  	[sflag:s29] =	ssyncadd.s32 $0xFFFFFFFF  }
0xb7: {  	_ =	strace $0x90000048  }
0xb8: {  	_ =	sfence  }
0xb9: {  	s30 =	sld [smem:$0x0];
	_ =	sdelay $0x2  }
0xba: {  	s31 =	sshll.u32 s1, $0xD;
	s1 =	sshrl.u32 s1, $0x2  }
0xbb: {  	s3 =	sand.u32 $0x4000, s31;
	s1 =	sadd.s32 s1, s30  }
0xbc: {  	s0 =	sor.u32 s3, s0;
	s1 =	sshll.u32 s1, $0x11  }
0xbd: {  	s0 =	sor.u32 s1, s0  }
0xbe: {  	s0 =	sadd.s32 $0x8F2B, s0  }
0xbf: {  	[sflag:s0] =	ssyncadd.remote.s32 $0x1  }
0xc0: {  	_ =	sfence.sel $0xFFFF  }
0xc1: {  	[dreg:$0x0] =	wrdreg $0xFFFFFFFF;
	(pc) =	sbr.abs _section_cstart, $3  }
0xc2: {  	[dreg:$0x1] =	wrdreg $0xFFFFFFFF  }
0xc3: {  	_ =	task.clear_ibuf [dreg:s8], $0x2FFFF;
	_ =	strace $0x9FFFFFFF  }
0xc4: {  	(tm) =	ssettm $0x7FFFFFFF  }
0xc5: {  	_ =	shalt  }
tec
execute0_lowered:
.L_overlay_start_1:
0x0: {  	(tag) =	ssettag $0x1  }
0x1: {  	s5 =	rddreg [dreg:$0x0]  }
0x2: {  	s2 =	rddreg [dreg:$0x1]  }
0x3: {  	s1 =	srdreg.scid;
	s0 =	stileid.u32  }
0x4: {  	s4 =	rddreg [dreg:$0x2];
	s3 =	simm.s32 $0x0;
	s16 =	simm.s32 $0x2  }
0x5: {  	s17 =	simm.s32 $0x1;
	s9 =	sand.u32 $0x1, s1;
	s1 =	rddreg [dreg:$0x3]  }
0x6: {  	s18 =	simm.s32 $0x0;
	s6 =	sshll.u32 s0, $0x1;
	[smem:$0x7FF] =	sst s3  }
0x7: {  	s11 =	sadd.s32 $0x400, s4;
	s12 =	smul.u32 $0x18000, s0;
	s6 =	sor.u32 s9, s6  }
0x8: {  	s7 =	ssub.s32 $0x2, s9;
	_ =	strace $0x80000047;
	s14 =	smul.u32 $0xC000, s9  }
0x9: {  	s8 =	smul.u32 $0xC000, s6;
	s31 =	sshrl.u32 s7, $0x1;
	s6 =	sshll.u32 s6, $0x6  }
0xa: {  	s15 =	sadd.s32 s12, s11;
	s13 =	ssub.s32 s7, s31;
	s5 =	sadd.s32 s5, s6  }
0xb: {  	s14 =	sadd.s32 s14, s15;
	s15 =	simm.s32 $0x210;
	s4 =	sadd.s32 s11, s8  }
0xc: {  	s13 =	smax.u32 s13, $0x1;
	s14 =	sadd.s32 $0x300, s14;
	s6 =	sadd.s32 $0x60, s4  }
0xd: {  	s7 =	sadd.s32 $0xC0, s4;
	s8 =	sadd.s32 $0x120, s4;
	s9 =	sadd.s32 $0x180, s4  }
0xe: {  	s10 =	sadd.s32 $0x1E0, s4;
	s11 =	sadd.s32 $0x240, s4;
	s12 =	sadd.s32 $0x2A0, s4  }
.LBB2_1:
0xf: {  	[tilespmem:s15], [sflag:$0x2] =	stream.linear.gather [hbm4b:s2+s3], $0x2400, $0x38;
	[tilespmem:$0x2610] =	vst v63  }
0x10: {  	_ =	swait.ge [sflag:s16], $0x2400  }
0x11: {  	[sflag:s16] =	ssyncset.done $0x0  }
0x12: {  	[sflag:s16] =	ssyncadd.s32 $0xFFFFDC00  }
0x13: {  	[tilespmem:s3], [sflag:$0x2] =	stream.linear.gather [hbm4b:s5+s3], $0x200, $0x38;
	[tilespmem:$0x2610] =	vst v63  }
0x14: {  	_ =	swait.ge [sflag:s16], $0x200  }
0x15: {  	[sflag:s16] =	ssyncset.done $0x0  }
0x16: {  	[sflag:s16] =	ssyncadd.s32 $0xFFFFFE00  }
0x17: {  	v0 =	vld [tilespmem:$0x0];
	_ =	sdelay $0x4  }
0x18: {  	(v2sf) =	vpush v0, $0x0;
	_ =	sdelay $0xe  }
0x19: {  	s19 =	spop (v2sf)  }
0x1a: {  	s19 =	smul.u32 $0xC00, s19;
	_ =	sdelay $0x1  }
0x1b: {  	s19 =	sshra.s32 s19, $0x2  }
0x1c: {  	s19 =	sadd.s32 $0x210, s19  }
0x1d: {  	[hbm4b:s4+s3] =	stream.linear.scatter [tilespmem:s19], [sflag:$0x1], $0x300, $0x38;
	[tilespmem:$0x2610] =	vst v63  }
0x1e: {  	v56 =	vld [tilespmem:$0x1];
	_ =	sdelay $0x4  }
0x1f: {  	(v2sf) =	vpush v56, $0x0;
	_ =	sdelay $0xe  }
0x20: {  	s22 =	spop (v2sf)  }
0x21: {  	s19 =	smul.u32 $0xC00, s22;
	_ =	sdelay $0x1  }
0x22: {  	s19 =	sshra.s32 s19, $0x2  }
0x23: {  	s19 =	sadd.s32 $0x210, s19  }
0x24: {  	[hbm4b:s6+s3] =	stream.linear.scatter [tilespmem:s19], [sflag:$0x1], $0x300, $0x38;
	[tilespmem:$0x2610] =	vst v63  }
0x25: {  	v57 =	vld [tilespmem:$0x2];
	_ =	sdelay $0x4  }
0x26: {  	(v2sf) =	vpush v57, $0x0;
	_ =	sdelay $0xe  }
0x27: {  	s23 =	spop (v2sf)  }
0x28: {  	s19 =	smul.u32 $0xC00, s23;
	_ =	sdelay $0x1  }
0x29: {  	s19 =	sshra.s32 s19, $0x2  }
0x2a: {  	s19 =	sadd.s32 $0x210, s19  }
0x2b: {  	[hbm4b:s7+s3] =	stream.linear.scatter [tilespmem:s19], [sflag:$0x1], $0x300, $0x38;
	[tilespmem:$0x2610] =	vst v63  }
0x2c: {  	v58 =	vld [tilespmem:$0x3];
	_ =	sdelay $0x4  }
0x2d: {  	(v2sf) =	vpush v58, $0x0;
	_ =	sdelay $0xe  }
0x2e: {  	s24 =	spop (v2sf)  }
0x2f: {  	s19 =	smul.u32 $0xC00, s24;
	_ =	sdelay $0x1  }
0x30: {  	s19 =	sshra.s32 s19, $0x2  }
0x31: {  	s19 =	sadd.s32 $0x210, s19  }
0x32: {  	[hbm4b:s8+s3] =	stream.linear.scatter [tilespmem:s19], [sflag:$0x1], $0x300, $0x38;
	[tilespmem:$0x2610] =	vst v63  }
0x33: {  	v59 =	vld [tilespmem:$0x4];
	_ =	sdelay $0x4  }
0x34: {  	(v2sf) =	vpush v59, $0x0;
	_ =	sdelay $0xe  }
0x35: {  	s25 =	spop (v2sf)  }
0x36: {  	s19 =	smul.u32 $0xC00, s25;
	_ =	sdelay $0x1  }
0x37: {  	s19 =	sshra.s32 s19, $0x2  }
0x38: {  	s19 =	sadd.s32 $0x210, s19  }
0x39: {  	[hbm4b:s9+s3] =	stream.linear.scatter [tilespmem:s19], [sflag:$0x1], $0x300, $0x38;
	[tilespmem:$0x2610] =	vst v63  }
0x3a: {  	v60 =	vld [tilespmem:$0x5];
	_ =	sdelay $0x4  }
0x3b: {  	(v2sf) =	vpush v60, $0x0;
	_ =	sdelay $0xe  }
0x3c: {  	s26 =	spop (v2sf)  }
0x3d: {  	s19 =	smul.u32 $0xC00, s26;
	_ =	sdelay $0x1  }
0x3e: {  	s19 =	sshra.s32 s19, $0x2  }
0x3f: {  	s19 =	sadd.s32 $0x210, s19  }
0x40: {  	[hbm4b:s10+s3] =	stream.linear.scatter [tilespmem:s19], [sflag:$0x1], $0x300, $0x38;
	[tilespmem:$0x2610] =	vst v63  }
0x41: {  	v61 =	vld [tilespmem:$0x6];
	_ =	sdelay $0x4  }
0x42: {  	(v2sf) =	vpush v61, $0x0;
	_ =	sdelay $0xe  }
0x43: {  	s28 =	spop (v2sf)  }
0x44: {  	s19 =	smul.u32 $0xC00, s28;
	_ =	sdelay $0x1  }
0x45: {  	s19 =	sshra.s32 s19, $0x2  }
0x46: {  	s19 =	sadd.s32 $0x210, s19  }
0x47: {  	[hbm4b:s11+s3] =	stream.linear.scatter [tilespmem:s19], [sflag:$0x1], $0x300, $0x38;
	[tilespmem:$0x2610] =	vst v63  }
0x48: {  	v62 =	vld [tilespmem:$0x7];
	_ =	sdelay $0x4  }
0x49: {  	(v2sf) =	vpush v62, $0x0;
	_ =	sdelay $0xe  }
0x4a: {  	s29 =	spop (v2sf)  }
0x4b: {  	s19 =	smul.u32 $0xC00, s29;
	_ =	sdelay $0x1  }
0x4c: {  	s19 =	sshra.s32 s19, $0x2  }
0x4d: {  	s30 =	simm.s32 $0x8;
	s19 =	sadd.s32 $0x210, s19  }
0x4e: {  	[hbm4b:s12+s3] =	stream.linear.scatter [tilespmem:s19], [sflag:$0x1], $0x300, $0x38;
	[tilespmem:$0x2610] =	vst v63  }
0x4f: {  	v63 =	vld [tilespmem:s30+$0x0];
	_ =	sdelay $0x4  }
0x50: {  	(v2sf) =	vpush v63, $0x0;
	_ =	sdelay $0xe  }
0x51: {  	s31 =	spop (v2sf)  }
0x52: {  	s19 =	smul.u32 $0xC00, s31;
	_ =	sdelay $0x1  }
0x53: {  	s19 =	sshra.s32 s19, $0x2  }
0x54: {  	s19 =	sadd.s32 $0x210, s19  }
0x55: {  	[hbm4b:s14+s3] =	stream.linear.scatter [tilespmem:s19], [sflag:$0x1], $0x300, $0x38;
	[tilespmem:$0x2610] =	vst v63  }
0x56: {  	s20 =	simm.s32 $0x24;
	_ =	swait.ge [sflag:s17], $0x300  }
0x57: {  	s21 =	simm.s32 $0x28;
	s19 =	sadd.s32 $0x60, s14;
	[sflag:s17] =	ssyncset.done $0x0  }
.LBB2_2:
0x58: {  	s22 =	sshra.s32 s20, $0x2  }
0x59: {  	[sflag:s17] =	ssyncadd.s32 $0xFFFFFD00;
	s20 =	smov.u32 s21;
	s23 =	sadd.s32 $0x4, s21  }
0x5a: {  	p0 =	sne.s32 s21, $0x7FC;
	v0 =	vld [tilespmem:s22+$0x0];
	_ =	sdelay $0x4  }
0x5b: {  	(v2sf) =	vpush v0, $0x0;
	_ =	sdelay $0xe  }
0x5c: {  	s21 =	spop (v2sf)  }
0x5d: {  	s21 =	smul.u32 $0xC00, s21;
	_ =	sdelay $0x1  }
.Ltmp0:
0x5e: {  	s21 =	sshra.s32 s21, $0x2;
	(pc) =	sbr.rel @p0 .LBB2_2-.Ltmp0, $4  }
0x5f: {  	s21 =	sadd.s32 $0x210, s21  }
0x60: {  	[hbm4b:s19+s3] =	stream.linear.scatter [tilespmem:s21], [sflag:$0x1], $0x300, $0x38;
	[tilespmem:$0x2610] =	vst v63  }
0x61: {  	_ =	swait.ge [sflag:s17], $0x300  }
0x62: {  	s19 =	sadd.s32 $0x60, s19;
	s21 =	smov.u32 s23;
	[sflag:s17] =	ssyncset.done $0x0  }
0x63: {  	s20 =	sshra.s32 s20, $0x2;
	[sflag:s17] =	ssyncadd.s32 $0xFFFFFD00  }
0x64: {  	v0 =	vld [tilespmem:s20+$0x0];
	_ =	sdelay $0x4  }
0x65: {  	(v2sf) =	vpush v0, $0x0;
	_ =	sdelay $0xe  }
0x66: {  	s31 =	spop (v2sf)  }
0x67: {  	s20 =	smul.u32 $0xC00, s31;
	_ =	sdelay $0x1  }
0x68: {  	s20 =	sshra.s32 s20, $0x2  }
0x69: {  	s20 =	sadd.s32 $0x210, s20  }
0x6a: {  	[hbm4b:s19+s3] =	stream.linear.scatter [tilespmem:s20], [sflag:$0x1], $0x300, $0x38;
	[tilespmem:$0x2610] =	vst v63  }
0x6b: {  	_ =	swait.ge [sflag:s17], $0x300  }
0x6c: {  	[sflag:s17] =	ssyncset.done $0x0  }
0x6d: {  	[sflag:s17] =	ssyncadd.s32 $0xFFFFFD00  }
0x6e: {  	_ =	swait.ge [sflag:s17], $0x300  }
0x6f: {  	[sflag:s17] =	ssyncset.done $0x0  }
0x70: {  	[sflag:s17] =	ssyncadd.s32 $0xFFFFFD00  }
0x71: {  	_ =	swait.ge [sflag:s17], $0x300  }
0x72: {  	[sflag:s17] =	ssyncset.done $0x0  }
0x73: {  	[sflag:s17] =	ssyncadd.s32 $0xFFFFFD00  }
0x74: {  	_ =	swait.ge [sflag:s17], $0x300  }
0x75: {  	[sflag:s17] =	ssyncset.done $0x0  }
0x76: {  	[sflag:s17] =	ssyncadd.s32 $0xFFFFFD00  }
0x77: {  	_ =	swait.ge [sflag:s17], $0x300  }
0x78: {  	[sflag:s17] =	ssyncset.done $0x0  }
0x79: {  	[sflag:s17] =	ssyncadd.s32 $0xFFFFFD00  }
0x7a: {  	_ =	swait.ge [sflag:s17], $0x300  }
0x7b: {  	[sflag:s17] =	ssyncset.done $0x0  }
0x7c: {  	[sflag:s17] =	ssyncadd.s32 $0xFFFFFD00  }
0x7d: {  	_ =	swait.ge [sflag:s17], $0x300  }
0x7e: {  	[sflag:s17] =	ssyncset.done $0x0  }
0x7f: {  	s18 =	sadd.s32 $0x1, s18;
	[sflag:s17] =	ssyncadd.s32 $0xFFFFFD00  }
0x80: {  	p0 =	sne.s32 s18, s13;
	_ =	swait.ge [sflag:s17], $0x300  }
.Ltmp1:
0x81: {  	[sflag:s17] =	ssyncset.done $0x0;
	(pc) =	sbr.rel @p0 .LBB2_1-.Ltmp1, $4  }
0x82: {  	[sflag:s17] =	ssyncadd.s32 $0xFFFFFD00  }
0x83: {  	_ =	swait.ge [sflag:s17], $0x300  }
0x84: {  	[sflag:s17] =	ssyncset.done $0x0  }
0x85: {  	[sflag:s17] =	ssyncadd.s32 $0xFFFFFD00  }
0x86: {  	_ =	sfence.sel $0x180000  }
0x87: {  	[bflag:$0x0] =	sbarrier.arrive $0xFFFF  }
0x88: {  	p0 =	sne.s32 s0, $0x0;
	_ =	strace $0x90000047  }
0x89: {  	s0 =	sadd.s32 @!p0 $0x100000, s1;
	[bflag:$0x2] =	sbarrier.arrive $0xFFFF  }
0x8a: {  	[sflag:s0] =	ssyncadd.tile.s32 @!p0 $0x1;
	_ =	shalt  }
.Lfunc_end2:
_tile_overlayer_lowered:
.L_overlay_start_2:
0x8b: {  	(tag) =	ssettag $0x2  }
0x8c: {  	s0 =	rddreg [dreg:$0x0];
	s2 =	stileid.u32  }
0x8d: {  	s1 =	rddreg [dreg:$0x1];
	p0 =	sne.s32 s2, $0x0  }
0x8e: {  	s3 =	rddreg [dreg:$0x2];
	[bflag:$0x3] =	sbarrier.arrive $0xFFFF;
	s2 =	simm.s32 @!p0 $0x1C02  }
0x8f: {  	[timem:s3], [sflag:s2] =	dma.local @!p0 [hbm:s0], s1  }
0x90: {  	s0 =	simm.s32 @!p0 $0x2  }
0x91: {  	_ =	swait.ge @!p0 [sflag:s0], s1  }
0x92: {  	s1 =	ssub.s32 @!p0 $0x0, s1;
	[sflag:s0] =	ssyncset.done @!p0 $0x0  }
0x93: {  	[sflag:s0] =	ssyncadd.s32 @!p0 s1  }
0x94: {  	[bflag:$0x3] =	sbarrier.arrive $0xFFFF  }
0x95: {  	_ =	shalt  }

</sc_bundles>
